<compile_context>
chip_gen: v7x
topology: tpu7x:2x2x1
jax: 0.10.2.dev20260603
libtpu: 0.0.44.dev20260713+nightly
codegen_flags: <defaults>
</compile_context>

<pallas_src>
import functools

import jax
import jax.numpy as jnp
from jax import lax
from jax.experimental import pallas as pl
from jax.experimental.pallas import tpu as pltpu
from jax.experimental.pallas import tpu_sc as plsc

NUM_CLASSES = 1000
HIDDEN = 1152
BATCH = 16384

_NC = 2
_NS = 16
_NW = _NC * _NS
_BPW = BATCH // _NW
_C = 32
_NCHUNK = _BPW // _C
_NPAIR = _NCHUNK // 2

_mesh = plsc.VectorSubcoreMesh(core_axis_name="c", subcore_axis_name="s")


@functools.partial(
    pl.kernel,
    out_type=jax.ShapeDtypeStruct((BATCH, HIDDEN), jnp.float32),
    mesh=_mesh,
    scratch_types=[
        pltpu.VMEM((_BPW,), jnp.int32),
        pltpu.VMEM((_C, HIDDEN), jnp.float32),
        pltpu.VMEM((_C, HIDDEN), jnp.float32),
        pltpu.SemaphoreType.DMA,
        pltpu.SemaphoreType.DMA,
        pltpu.SemaphoreType.DMA,
        pltpu.SemaphoreType.DMA,
    ],
)
def _embed_sc(table_hbm, labels_hbm, out_hbm, idx_v, rows0, rows1,
              g0, g1, w0, w1):
    sid = lax.axis_index("s")
    wid = sid * _NC + lax.axis_index("c")
    base = pl.multiple_of(wid * _BPW, _BPW)
    pltpu.sync_copy(labels_hbm.at[pl.ds(base, _BPW)], idx_v)

    bufs = (rows0, rows1)
    gsems = (g0, g1)
    wsems = (w0, w1)

    def g_copy(b, off):
        return pltpu.make_async_copy(
            table_hbm.at[idx_v.at[pl.ds(off, _C)]], bufs[b], gsems[b])

    def w_copy(b, off):
        return pltpu.make_async_copy(
            bufs[b], out_hbm.at[pl.ds(base + off, _C)], wsems[b])

    g_copy(0, 0).start()

    def body(i, _):
        off0 = pl.multiple_of(2 * i * _C, _C)
        off1 = off0 + _C

        g_copy(0, off0).wait()
        w_copy(0, off0).start()

        @pl.when(i > 0)
        def _():
            w_copy(1, off0 - _C).wait()

        g_copy(1, off1).start()

        g_copy(1, off1).wait()
        w_copy(1, off1).start()
        w_copy(0, off0).wait()

        @pl.when(i < _NPAIR - 1)
        def _():
            g_copy(0, off1 + _C).start()

        return 0

    lax.fori_loop(0, _NPAIR, body, 0)
    w_copy(1, (_NCHUNK - 1) * _C).wait()


def kernel(labels, train, embedding_table):
    del train
    return _embed_sc(embedding_table, labels.astype(jnp.int32))

# --- scband reference (transcript-rebuilt; emitter-appended) ---
"""Pipeline reference for scband-parallel-label-embedder-9663676416194 (READ-ONLY COPY).

The authoritative reference and input builder live on the scoring server;
editing this copy changes nothing except your own understanding.
"""

import jax, jax.numpy as jnp
import numpy as np

NUM_CLASSES = 1000
HIDDEN_SIZE = 1152
DROPOUT_PROB = 0.1
BATCH = 16384


def setup_inputs(seed: int = 0) -> dict:
    key = jax.random.key(seed)
    k_lab, k_w = jax.random.split(key, 2)
    labels = jax.random.randint(k_lab, (BATCH,), 0, NUM_CLASSES, dtype=jnp.int64 if jax.config.jax_enable_x64 else jnp.int32)
    # num_classes + 1 rows: extra row is the CFG (null) embedding since dropout_prob > 0
    embedding_table = (jax.random.normal(k_w, (NUM_CLASSES + 1, HIDDEN_SIZE), dtype=jnp.float32) * 0.02)
    train = 0  # eval mode: no token drop (avoids RNG/dist.broadcast path)
    return {"labels": labels, "train": train, "embedding_table": embedding_table}


def reference(labels, train, embedding_table):
    # forward(labels, train, force_drop_ids=None)
    # use_dropout = dropout_prob > 0, but train is False and force_drop_ids is None,
    # so token_drop is skipped; forward is a pure embedding gather.
    use_token_drop = jnp.logical_and(train != 0, DROPOUT_PROB > 0)
    gathered = jnp.take(embedding_table, labels, axis=0)
    embeddings = jax.lax.cond(
        use_token_drop,
        # token_drop path (not exercised with train=0); kept for faithfulness with a
        # deterministic drop mask stand-in would require RNG + broadcast; skipped.
        lambda e: e,
        lambda e: e,
        gathered,
    )
    return embeddings

if __name__ == "__main__":
    import jax
    _d = setup_inputs()
    print(jax.jit(kernel)(*tuple(_d.values())))

</pallas_src>

<mosaic_0001>
#map = affine_map<(d0, d1) -> (0, 0)>
#map1 = affine_map<(d0, d1) -> (0)>
module attributes {stable_mosaic.version = 14 : i64} {
  func.func @_embed_sc(%arg0: i32, %arg1: i32, %arg2: memref<1001x1152xf32, #tpu.memory_space<hbm>>, %arg3: memref<16384xi32, #tpu.memory_space<hbm>>, %arg4: memref<16384x1152xf32, #tpu.memory_space<hbm>>, %arg5: memref<512xi32, #tpu.memory_space<vmem>>, %arg6: memref<32x1152xf32, #tpu.memory_space<vmem>>, %arg7: memref<32x1152xf32, #tpu.memory_space<vmem>>, %arg8: memref<!tpu.dma_semaphore, #tpu.memory_space<semaphore_mem>>, %arg9: memref<!tpu.dma_semaphore, #tpu.memory_space<semaphore_mem>>, %arg10: memref<!tpu.dma_semaphore, #tpu.memory_space<semaphore_mem>>, %arg11: memref<!tpu.dma_semaphore, #tpu.memory_space<semaphore_mem>>) attributes {dimension_semantics = [#tpu.dimension_semantics<core_parallel>, #tpu.dimension_semantics<subcore_parallel>], iteration_bounds = array<i64: 2, 16>, scalar_prefetch = 0 : i64, scratch_operands = 7 : i64, tpu.core_type = #tpu.core_type<sc_vector_subcore>, window_params = [{transform_indices = #map}, {transform_indices = #map1}, {transform_indices = #map}]} {
    %mul3A = arith.constant 2 : i32
    %mul3A_0 = arith.muli %arg1, %mul3A : i32
    %add3A = arith.addi %mul3A_0, %arg0 : i32
    %mul3A_1 = arith.constant 512 : i32
    %mul3A_2 = arith.muli %add3A, %mul3A_1 : i32
    %multiple_of3A = tpu.assume_multiple %mul3A_2, 512 : i32
    "tpu.region"() ({
      %run_scoped3A = tpu.sem_alloc : memref<!tpu.dma_semaphore, #tpu.memory_space<semaphore_mem>>
      %dma_start3A_18 = tpu.memref_slice %arg3[%multiple_of3A] : memref<16384xi32, #tpu.memory_space<hbm>> -> memref<512xi32, #tpu.memory_space<hbm>>
      %dma_start3A_19 = tpu.memref_slice %arg3[%multiple_of3A] : memref<16384xi32, #tpu.memory_space<hbm>> -> memref<512xi32, #tpu.memory_space<hbm>>
      tpu.enqueue_dma source(%dma_start3A_19 : memref<512xi32, #tpu.memory_space<hbm>>) target(%arg5 : memref<512xi32, #tpu.memory_space<vmem>>) target_semaphore(%run_scoped3A : memref<!tpu.dma_semaphore, #tpu.memory_space<semaphore_mem>>)
      %dma_wait3A_20 = tpu.memref_slice %arg3[%multiple_of3A] : memref<16384xi32, #tpu.memory_space<hbm>> -> memref<512xi32, #tpu.memory_space<hbm>>
      %dma_wait3A_21 = tpu.memref_slice %arg3[%multiple_of3A] : memref<16384xi32, #tpu.memory_space<hbm>> -> memref<512xi32, #tpu.memory_space<hbm>>
      tpu.wait_dma2 semaphore(%run_scoped3A : memref<!tpu.dma_semaphore, #tpu.memory_space<semaphore_mem>>) src(%dma_wait3A_21 : memref<512xi32, #tpu.memory_space<hbm>>) dst(%arg5 : memref<512xi32, #tpu.memory_space<vmem>>)
      tpu.yield
    }) : () -> ()
    %dma_start3A = arith.constant 0 : i32
    %dma_start3A_3 = tpu.memref_slice %arg5[%dma_start3A] : memref<512xi32, #tpu.memory_space<vmem>> -> memref<32xi32, #tpu.memory_space<vmem>>
    %dma_start3A_4 = arith.constant 0 : i32
    %dma_start3A_5 = arith.constant 0 : i32
    %dma_start3A_6 = tpu.memref_slice %arg2[%dma_start3A_4, %dma_start3A_5] : memref<1001x1152xf32, #tpu.memory_space<hbm>> -> memref<1001x1152xf32, #tpu.memory_space<hbm>>
    tpu.enqueue_indirect_dma source(%dma_start3A_6 : memref<1001x1152xf32, #tpu.memory_space<hbm>>) target(%arg6 : memref<32x1152xf32, #tpu.memory_space<vmem>>) offsets(%dma_start3A_3 : memref<32xi32, #tpu.memory_space<vmem>>) semaphore(%arg8 : memref<!tpu.dma_semaphore, #tpu.memory_space<semaphore_mem>>)
    %scan3A = arith.constant 0 : i32
    %scan3A_7 = arith.constant 0 : i32
    %scan3A_8 = arith.constant 8 : i32
    %scan3A_9 = arith.addi %scan3A_7, %scan3A_8 : i32
    %scan3A_10 = arith.constant 1 : i32
    %scan3A_11 = scf.for %scan3A_18 = %scan3A_7 to %scan3A_9 step %scan3A_10 iter_args(%scan3A_19 = %scan3A) -> (i32)  : i32 {
      %mul3A_20 = arith.constant 2 : i32
      %mul3A_21 = arith.muli %mul3A_20, %scan3A_18 : i32
      %mul3A_22 = arith.constant 32 : i32
      %mul3A_23 = arith.muli %mul3A_21, %mul3A_22 : i32
      %multiple_of3A_24 = tpu.assume_multiple %mul3A_23, 32 : i32
      %add3A_25 = arith.constant 32 : i32
      %add3A_26 = arith.addi %multiple_of3A_24, %add3A_25 : i32
      %dma_wait3A_27 = tpu.memref_slice %arg5[%multiple_of3A_24] : memref<512xi32, #tpu.memory_space<vmem>> -> memref<32xi32, #tpu.memory_space<vmem>>
      %dma_wait3A_28 = arith.constant 0 : i32
      %dma_wait3A_29 = arith.constant 0 : i32
      %dma_wait3A_30 = tpu.memref_slice %arg2[%dma_wait3A_28, %dma_wait3A_29] : memref<1001x1152xf32, #tpu.memory_space<hbm>> -> memref<1001x1152xf32, #tpu.memory_space<hbm>>
      tpu.wait_indirect_dma semaphore(%arg8 : memref<!tpu.dma_semaphore, #tpu.memory_space<semaphore_mem>>) src(%dma_wait3A_30 : memref<1001x1152xf32, #tpu.memory_space<hbm>>) dst(%arg6 : memref<32x1152xf32, #tpu.memory_space<vmem>>)
      %add3A_31 = arith.addi %multiple_of3A, %multiple_of3A_24 : i32
      %dma_start3A_32 = arith.constant 0 : i32
      %dma_start3A_33 = tpu.memref_slice %arg4[%add3A_31, %dma_start3A_32] : memref<16384x1152xf32, #tpu.memory_space<hbm>> -> memref<32x1152xf32, #tpu.memory_space<hbm>>
      %dma_start3A_34 = arith.constant 0 : i32
      %dma_start3A_35 = tpu.memref_slice %arg4[%add3A_31, %dma_start3A_34] : memref<16384x1152xf32, #tpu.memory_space<hbm>> -> memref<32x1152xf32, #tpu.memory_space<hbm>>
      tpu.enqueue_dma source(%arg6 : memref<32x1152xf32, #tpu.memory_space<vmem>>) target(%dma_start3A_35 : memref<32x1152xf32, #tpu.memory_space<hbm>>) target_semaphore(%arg10 : memref<!tpu.dma_semaphore, #tpu.memory_space<semaphore_mem>>)
      %gt3A = arith.constant 0 : i32
      %gt3A_36 = arith.cmpi sgt, %scan3A_18, %gt3A : i32
      %convert_element_type3A = arith.extui %gt3A_36 : i1 to i32
      %cond3A = arith.constant 0 : i32
      %cond3A_37 = arith.cmpi ne, %convert_element_type3A, %cond3A : i32
      scf.if %cond3A_37 {
        %sub3A = arith.constant 32 : i32
        %sub3A_61 = arith.subi %multiple_of3A_24, %sub3A : i32
        %add3A_62 = arith.addi %multiple_of3A, %sub3A_61 : i32
        %dma_wait3A_63 = arith.constant 0 : i32
        %dma_wait3A_64 = tpu.memref_slice %arg4[%add3A_62, %dma_wait3A_63] : memref<16384x1152xf32, #tpu.memory_space<hbm>> -> memref<32x1152xf32, #tpu.memory_space<hbm>>
        %dma_wait3A_65 = arith.constant 0 : i32
        %dma_wait3A_66 = tpu.memref_slice %arg4[%add3A_62, %dma_wait3A_65] : memref<16384x1152xf32, #tpu.memory_space<hbm>> -> memref<32x1152xf32, #tpu.memory_space<hbm>>
        tpu.wait_dma2 semaphore(%arg11 : memref<!tpu.dma_semaphore, #tpu.memory_space<semaphore_mem>>) src(%arg7 : memref<32x1152xf32, #tpu.memory_space<vmem>>) dst(%dma_wait3A_66 : memref<32x1152xf32, #tpu.memory_space<hbm>>)
      } else {
      }
      %dma_start3A_38 = tpu.memref_slice %arg5[%add3A_26] : memref<512xi32, #tpu.memory_space<vmem>> -> memref<32xi32, #tpu.memory_space<vmem>>
      %dma_start3A_39 = arith.constant 0 : i32
      %dma_start3A_40 = arith.constant 0 : i32
      %dma_start3A_41 = tpu.memref_slice %arg2[%dma_start3A_39, %dma_start3A_40] : memref<1001x1152xf32, #tpu.memory_space<hbm>> -> memref<1001x1152xf32, #tpu.memory_space<hbm>>
      tpu.enqueue_indirect_dma source(%dma_start3A_41 : memref<1001x1152xf32, #tpu.memory_space<hbm>>) target(%arg7 : memref<32x1152xf32, #tpu.memory_space<vmem>>) offsets(%dma_start3A_38 : memref<32xi32, #tpu.memory_space<vmem>>) semaphore(%arg9 : memref<!tpu.dma_semaphore, #tpu.memory_space<semaphore_mem>>)
      %dma_wait3A_42 = tpu.memref_slice %arg5[%add3A_26] : memref<512xi32, #tpu.memory_space<vmem>> -> memref<32xi32, #tpu.memory_space<vmem>>
      %dma_wait3A_43 = arith.constant 0 : i32
      %dma_wait3A_44 = arith.constant 0 : i32
      %dma_wait3A_45 = tpu.memref_slice %arg2[%dma_wait3A_43, %dma_wait3A_44] : memref<1001x1152xf32, #tpu.memory_space<hbm>> -> memref<1001x1152xf32, #tpu.memory_space<hbm>>
      tpu.wait_indirect_dma semaphore(%arg9 : memref<!tpu.dma_semaphore, #tpu.memory_space<semaphore_mem>>) src(%dma_wait3A_45 : memref<1001x1152xf32, #tpu.memory_space<hbm>>) dst(%arg7 : memref<32x1152xf32, #tpu.memory_space<vmem>>)
      %add3A_46 = arith.addi %multiple_of3A, %add3A_26 : i32
      %dma_start3A_47 = arith.constant 0 : i32
      %dma_start3A_48 = tpu.memref_slice %arg4[%add3A_46, %dma_start3A_47] : memref<16384x1152xf32, #tpu.memory_space<hbm>> -> memref<32x1152xf32, #tpu.memory_space<hbm>>
      %dma_start3A_49 = arith.constant 0 : i32
      %dma_start3A_50 = tpu.memref_slice %arg4[%add3A_46, %dma_start3A_49] : memref<16384x1152xf32, #tpu.memory_space<hbm>> -> memref<32x1152xf32, #tpu.memory_space<hbm>>
      tpu.enqueue_dma source(%arg7 : memref<32x1152xf32, #tpu.memory_space<vmem>>) target(%dma_start3A_50 : memref<32x1152xf32, #tpu.memory_space<hbm>>) target_semaphore(%arg11 : memref<!tpu.dma_semaphore, #tpu.memory_space<semaphore_mem>>)
      %add3A_51 = arith.addi %multiple_of3A, %multiple_of3A_24 : i32
      %dma_wait3A_52 = arith.constant 0 : i32
      %dma_wait3A_53 = tpu.memref_slice %arg4[%add3A_51, %dma_wait3A_52] : memref<16384x1152xf32, #tpu.memory_space<hbm>> -> memref<32x1152xf32, #tpu.memory_space<hbm>>
      %dma_wait3A_54 = arith.constant 0 : i32
      %dma_wait3A_55 = tpu.memref_slice %arg4[%add3A_51, %dma_wait3A_54] : memref<16384x1152xf32, #tpu.memory_space<hbm>> -> memref<32x1152xf32, #tpu.memory_space<hbm>>
      tpu.wait_dma2 semaphore(%arg10 : memref<!tpu.dma_semaphore, #tpu.memory_space<semaphore_mem>>) src(%arg6 : memref<32x1152xf32, #tpu.memory_space<vmem>>) dst(%dma_wait3A_55 : memref<32x1152xf32, #tpu.memory_space<hbm>>)
      %lt3A = arith.constant 7 : i32
      %lt3A_56 = arith.cmpi slt, %scan3A_18, %lt3A : i32
      %convert_element_type3A_57 = arith.extui %lt3A_56 : i1 to i32
      %cond3A_58 = arith.constant 0 : i32
      %cond3A_59 = arith.cmpi ne, %convert_element_type3A_57, %cond3A_58 : i32
      scf.if %cond3A_59 {
        %add3A_61 = arith.constant 32 : i32
        %add3A_62 = arith.addi %add3A_26, %add3A_61 : i32
        %dma_start3A_63 = tpu.memref_slice %arg5[%add3A_62] : memref<512xi32, #tpu.memory_space<vmem>> -> memref<32xi32, #tpu.memory_space<vmem>>
        %dma_start3A_64 = arith.constant 0 : i32
        %dma_start3A_65 = arith.constant 0 : i32
        %dma_start3A_66 = tpu.memref_slice %arg2[%dma_start3A_64, %dma_start3A_65] : memref<1001x1152xf32, #tpu.memory_space<hbm>> -> memref<1001x1152xf32, #tpu.memory_space<hbm>>
        tpu.enqueue_indirect_dma source(%dma_start3A_66 : memref<1001x1152xf32, #tpu.memory_space<hbm>>) target(%arg6 : memref<32x1152xf32, #tpu.memory_space<vmem>>) offsets(%dma_start3A_63 : memref<32xi32, #tpu.memory_space<vmem>>) semaphore(%arg8 : memref<!tpu.dma_semaphore, #tpu.memory_space<semaphore_mem>>)
      } else {
      }
      %scan3A_60 = arith.constant 0 : i32
      scf.yield %scan3A_60 : i32
    }
    %scan3A_12 = arith.constant 8 : i32
    %add3A_13 = arith.constant 480 : i32
    %add3A_14 = arith.addi %multiple_of3A, %add3A_13 : i32
    %dma_wait3A = arith.constant 0 : i32
    %dma_wait3A_15 = tpu.memref_slice %arg4[%add3A_14, %dma_wait3A] : memref<16384x1152xf32, #tpu.memory_space<hbm>> -> memref<32x1152xf32, #tpu.memory_space<hbm>>
    %dma_wait3A_16 = arith.constant 0 : i32
    %dma_wait3A_17 = tpu.memref_slice %arg4[%add3A_14, %dma_wait3A_16] : memref<16384x1152xf32, #tpu.memory_space<hbm>> -> memref<32x1152xf32, #tpu.memory_space<hbm>>
    tpu.wait_dma2 semaphore(%arg11 : memref<!tpu.dma_semaphore, #tpu.memory_space<semaphore_mem>>) src(%arg7 : memref<32x1152xf32, #tpu.memory_space<vmem>>) dst(%dma_wait3A_17 : memref<32x1152xf32, #tpu.memory_space<hbm>>)
    return
  }
}

</mosaic_0001>

<sc_bundles>
// kernel: kernel.3.cloned.1.call-start
scs
__scs_entry_jumppad:
0x0: {  	(pc) =	sbr.rel $0x88, $3  }
0x1: {  	(tag) =	ssettag $0x0;
	lr =	simm.s32 $0x1  }
0x2: {  	[smem:$0x3F9F] =	sst lr;
	_ =	strace $0xD0000000  }
0x3: {  	_ = 	snop  }
0x4: {  	_ = 	snop  }
0x5: {  	_ = 	snop  }
0x6: {  	_ = 	snop  }
0x7: {  	_ = 	snop  }
__scs_overlays_trampoline_lowered:
0x8: {  	[smem:$0x3FAE] =	sst s0  }
0x9: {  	[smem:$0x3FAF] =	sst s1  }
0xa: {  	[smem:$0x3FB0] =	sst s2  }
0xb: {  	[smem:$0x3FB1] =	sst s3  }
0xc: {  	[smem:$0x3FB2] =	sst s4  }
0xd: {  	[smem:$0x3FB3] =	sst s5  }
0xe: {  	[smem:$0x3FB4] =	sst s6  }
0xf: {  	[smem:$0x3FB5] =	sst s7  }
0x10: {  	[smem:$0x3FB6] =	sst s8  }
0x11: {  	[smem:$0x3FB7] =	sst s9;
	s0 =	simm.s32 @!p0 $0x0  }
0x12: {  	s1 =	sld [smem:$0x3F9D];
	s0 =	simm.s32 @p0 $0x1  }
0x13: {  	[smem:$0x3FB8] =	sst s0;
	s0 =	simm.s32 @!p1 $0x0  }
0x14: {  	s2 =	sld [smem:$0x3F9C];
	s0 =	simm.s32 @p1 $0x1  }
0x15: {  	[smem:$0x3FB9] =	sst s0;
	s0 =	simm.s32 @!p2 $0x0  }
0x16: {  	s3 =	sld [smem:$0x3FDB];
	s0 =	simm.s32 @p2 $0x1  }
0x17: {  	s4 =	simm.s32 $0x1BF5;
	[smem:$0x3FBB] =	sst s0  }
0x18: {  	s0 =	sld [smem:$0x3F9E];
	_ =	swait.ge [sflag:s4], $0x0  }
0x19: {  	s7 =	sld [smem:$0x3F9F]  }
0x1a: {  	s8 =	sadd.s32 $0xFFFFE003, lr  }
0x1b: {  	s9 =	sadd.s32 $0xFFFFFEF7, lr;
	s5 =	simm.s32 $0xFFFFFFFF;
	p2 =	slt.u32 s8, $0xFFFFF086  }
0x1c: {  	p1 =	slt.u32 s9, $0xF7A;
	s5 =	simm.s32 @!p2 $0x0  }
0x1d: {  	s5 =	simm.s32 @p1 $0x1;
	p0 =	seq.s32 s7, s2  }
0x1e: {  	s7 =	smul.u32 @!p0 $0xF7A, s2;
	p2 =	seq.s32 @!p0 s5, $0x0  }
0x1f: {  	s9 =	smul.u32 $0xF7A, s1;
	s8 =	simm.s32 @!p0 $0x1BF5;
	p2 =	por !p2, p0  }
0x20: {  	[sflag:s8] =	ssyncset.s32 @!p0 $0xFFFFF086;
	s6 =	sadd.s32 @!p0 s3, s7;
	s7 =	simm.s32 @!p0 $0x108  }
0x21: {  	s3 =	sadd.s32 s3, s9;
	s6 =	sadd.s32 @!p0 $0x88, s6;
	s7 =	simm.s32 @p2 $0x1082  }
0x22: {  	[simem:s7], [sflag:s8] =	dma.local @!p0 [hbm:s6], $0xF7A  }
0x23: {  	s9 =	sor.u32 $0xD0000000, s2;
	s6 =	simm.s32 $0x108;
	_ =	swait.ge @!p0 [sflag:s8], $0x0  }
0x24: {  	s3 =	sadd.s32 $0x88, s3;
	s6 =	simm.s32 @!p1 $0x1082;
	[sflag:s4] =	ssyncset.s32 $0xFFFFF086  }
0x25: {  	[simem:s6], [sflag:s4] =	dma.local [hbm:s3], $0xF7A  }
0x26: {  	[smem:$0x3F9F] =	sst s1;
	(tag) =	ssettag s2;
	_ =	strace s9  }
0x27: {  	s1 =	sld [smem:$0x3FAF]  }
0x28: {  	s2 =	sld [smem:$0x3FB0]  }
0x29: {  	s4 =	sld [smem:$0x3FB2]  }
0x2a: {  	p0 =	seq.s32 s5, $0x0;
	s5 =	sld [smem:$0x3FB3]  }
0x2b: {  	s6 =	sld [smem:$0x3FB4]  }
0x2c: {  	s7 =	sld [smem:$0x3FB5]  }
0x2d: {  	s3 =	simm.s32 $0x108;
	s8 =	sld [smem:$0x3FB6]  }
0x2e: {  	s3 =	simm.s32 @!p0 $0x1082;
	s9 =	sld [smem:$0x3FB7]  }
0x2f: {  	lr =	sadd.s32 s0, s3;
	s0 =	sld [smem:$0x3FAE]  }
0x30: {  	s3 =	sld [smem:$0x3FB1]  }
0x31: {  	[smem:$0x3FBA] =	sst s10  }
0x32: {  	s10 =	sld [smem:$0x3FB8];
	_ =	sdelay $0x3  }
0x33: {  	p0 =	seq.s32 s10, $0x1;
	s10 =	sld [smem:$0x3FBA];
	_ =	sdelay $0x3  }
0x34: {  	[smem:$0x3FBA] =	sst s10  }
0x35: {  	s10 =	sld [smem:$0x3FB9];
	_ =	sdelay $0x3  }
0x36: {  	p1 =	seq.s32 s10, $0x1;
	s10 =	sld [smem:$0x3FBA];
	_ =	sdelay $0x3  }
0x37: {  	[smem:$0x3FBA] =	sst s10  }
0x38: {  	s10 =	sld [smem:$0x3FBB]  }
0x39: {  	_ = 	snop;
	(pc) =	sbr.ind lr, $3  }
0x3a: {  	_ = 	snop  }
0x3b: {  	_ = 	snop  }
0x3c: {  	p2 =	seq.s32 s10, $0x1;
	s10 =	sld [smem:$0x3FBA]  }
0x3d: {  	_ =	shalt  }
0x3e: {  	_ =	shalt  }
0x3f: {  	_ =	shalt  }
0x40: {  	_ =	shalt  }
0x41: {  	_ =	shalt  }
0x42: {  	_ =	shalt  }
0x43: {  	_ =	shalt  }
0x44: {  	_ =	shalt  }
0x45: {  	_ =	shalt  }
0x46: {  	_ =	shalt  }
0x47: {  	_ =	shalt  }
0x48: {  	_ =	shalt  }
0x49: {  	_ =	shalt  }
0x4a: {  	_ =	shalt  }
0x4b: {  	_ =	shalt  }
0x4c: {  	_ =	shalt  }
0x4d: {  	_ =	shalt  }
0x4e: {  	_ =	shalt  }
0x4f: {  	_ =	shalt  }
0x50: {  	_ =	shalt  }
0x51: {  	_ =	shalt  }
0x52: {  	_ =	shalt  }
0x53: {  	_ =	shalt  }
0x54: {  	_ =	shalt  }
0x55: {  	_ =	shalt  }
0x56: {  	_ =	shalt  }
0x57: {  	_ =	shalt  }
0x58: {  	_ =	shalt  }
0x59: {  	_ =	shalt  }
0x5a: {  	_ =	shalt  }
0x5b: {  	_ =	shalt  }
0x5c: {  	_ =	shalt  }
0x5d: {  	_ =	shalt  }
0x5e: {  	_ =	shalt  }
0x5f: {  	_ =	shalt  }
0x60: {  	_ =	shalt  }
0x61: {  	_ =	shalt  }
0x62: {  	_ =	shalt  }
0x63: {  	_ =	shalt  }
0x64: {  	_ =	shalt  }
0x65: {  	_ =	shalt  }
0x66: {  	_ =	shalt  }
0x67: {  	_ =	shalt  }
0x68: {  	_ =	shalt  }
0x69: {  	_ =	shalt  }
0x6a: {  	_ =	shalt  }
0x6b: {  	_ =	shalt  }
0x6c: {  	_ =	shalt  }
0x6d: {  	_ =	shalt  }
0x6e: {  	_ =	shalt  }
0x6f: {  	_ =	shalt  }
0x70: {  	_ =	shalt  }
0x71: {  	_ =	shalt  }
0x72: {  	_ =	shalt  }
0x73: {  	_ =	shalt  }
0x74: {  	_ =	shalt  }
0x75: {  	_ =	shalt  }
0x76: {  	_ =	shalt  }
0x77: {  	_ =	shalt  }
0x78: {  	_ =	shalt  }
0x79: {  	_ =	shalt  }
0x7a: {  	_ =	shalt  }
0x7b: {  	_ =	shalt  }
0x7c: {  	_ =	shalt  }
0x7d: {  	_ =	shalt  }
0x7e: {  	_ =	shalt  }
0x7f: {  	_ =	shalt  }
0x80: {  	_ =	shalt  }
0x81: {  	_ =	shalt  }
0x82: {  	_ =	shalt  }
0x83: {  	_ =	shalt  }
0x84: {  	_ =	shalt  }
0x85: {  	_ =	shalt  }
0x86: {  	_ =	shalt  }
0x87: {  	_ =	shalt  }
.Lfunc_end0:
.L_simem_size_0:
called_computation_lowered:
.L_overlay_start_0:
0x88: {  	s2 =	sld [smem:$0x3FD9]  }
0x89: {  	s3 =	sld [smem:$0x3FFE];
	_ =	sdelay $0x1  }
0x8a: {  	s1 =	srdreg.scid  }
0x8b: {  	s0 =	sand.u32 $0x1, s1  }
0x8c: {  	s18 =	sshll.u32 s0, $0xA;
	s2 =	sadd.s32 s3, s2  }
0x8d: {  	s2 =	sadd.s32 s2, s18  }
0x8e: {  	[smem:$0x3FC6] =	sst s2  }
0x8f: {  	_ = 	snop  }
0x90: {  	s2 =	sld [smem:$0x3FC9]  }
0x91: {  	s19 =	sld [smem:$0x3FC8]  }
0x92: {  	s4 =	sld [smem:$0x3FD0];
	(tm) =	ssettm $0x1  }
0x93: {  	s5 =	sld [smem:$0x3FFB];
	_ =	sdelay $0x3  }
0x94: {  	_ =	strace s5  }
0x95: {  	s5 =	sld [smem:$0x3FFC];
	_ =	sdelay $0x3  }
0x96: {  	_ =	strace s5  }
0x97: {  	s5 =	sld [smem:$0x3FFD];
	_ =	sdelay $0x3  }
0x98: {  	_ =	strace s5  }
0x99: {  	_ =	strace $0x8FFFFFFF  }
0x9a: {  	s20 =	sld [smem:$0x3FDB];
	_ =	sdelay $0x1  }
0x9b: {  	s6 =	simm.s32 $_scs_section_size  }
0x9c: {  	s7 =	simm.s32 $_size__tile_overlayer_lowered;
	s8 =	simm.s32 $_tile_overlayer_lowered  }
0x9d: {  	s23 =	simm.s32 $0x1BFF;
	s22 =	sshll.u32 s8, $0x1;
	s5 =	sadd.s32 s6, s20  }
0x9e: {  	s9 =	simm.s32 $0x0;
	s21 =	sshll.u32 s7, $0x1;
	s7 =	sadd.s32 s22, s5  }
0x9f: {  	[timem:s9], [sflag:s23] =	dma.local [hbm:s7], s21  }
0xa0: {  	_ =	swait.ge [sflag:s23], s21  }
0xa1: {  	s6 =	ssub.s32 $0x0, s21;
	[sflag:s23] =	ssyncset.done $0x0  }
0xa2: {  	[sflag:s23] =	ssyncadd.s32 s6;
	_ =	sdelay $0x1  }
0xa3: {  	s24 =	simm.s32 $0x1B8B  }
0xa4: {  	_ =	swait.ge [sflag:s24], $0x1  }
0xa5: {  	[sflag:s24] =	ssyncset.done $0x0  }
0xa6: {  	s25 =	simm.s32 $0x1B8E;
	[sflag:s24] =	ssyncadd.s32 $0xFFFFFFFF  }
0xa7: {  	s26 =	simm.s32 $execute0_lowered;
	[smem:$0x3FD2] =	sst s25  }
0xa8: {  	s6 =	sshll.u32 s26, $0x1;
	_ =	strace $0x80000046;
	[dreg:$0x1] =	wrdreg $0xFFFFFFFF  }
0xa9: {  	s28 =	simm.s32 $_size_execute0_lowered;
	s5 =	sadd.s32 s5, s6;
	[dreg:$0x0] =	wrdreg $0x0  }
0xaa: {  	s6 =	sshll.u32 s28, $0x1;
	[dreg:$0x2] =	wrdreg s5  }
0xab: {  	[dreg:$0x3] =	wrdreg s6  }
0xac: {  	[dreg:$0x4] =	wrdreg $0xC0  }
0xad: {  	_ =	task [dreg:s9], $0x5FFFF  }
0xae: {  	[dreg:$0x1] =	wrdreg $0xFFFFFFFF  }
0xaf: {  	[dreg:$0x0] =	wrdreg $0x60  }
0xb0: {  	[dreg:$0x2] =	wrdreg s19  }
0xb1: {  	[dreg:$0x3] =	wrdreg s2  }
0xb2: {  	[dreg:$0x4] =	wrdreg s4  }
0xb3: {  	[dreg:$0x5] =	wrdreg $0x9  }
0xb4: {  	_ =	task.clear_ibuf [dreg:s9], $0x6FFFF;
	_ =	strace $0x90000046  }
0xb5: {  	s29 =	simm.s32 $0x9;
	_ =	strace $0x80000048  }
0xb6: {  	_ =	swait.ge [sflag:s29], $0x1  }
0xb7: {  	[sflag:s29] =	ssyncadd.s32 $0xFFFFFFFF  }
0xb8: {  	_ =	strace $0x90000048  }
0xb9: {  	_ =	sfence  }
0xba: {  	s30 =	sld [smem:$0x0];
	_ =	sdelay $0x2  }
0xbb: {  	s31 =	sshll.u32 s1, $0xD;
	s1 =	sshrl.u32 s1, $0x2  }
0xbc: {  	s3 =	sand.u32 $0x4000, s31;
	s1 =	sadd.s32 s1, s30  }
0xbd: {  	s0 =	sor.u32 s3, s0;
	s1 =	sshll.u32 s1, $0x11  }
0xbe: {  	s0 =	sor.u32 s1, s0  }
0xbf: {  	s0 =	sadd.s32 $0x8F2B, s0  }
0xc0: {  	[sflag:s0] =	ssyncadd.remote.s32 $0x1  }
0xc1: {  	_ =	sfence.sel $0xFFFF  }
0xc2: {  	[dreg:$0x0] =	wrdreg $0xFFFFFFFF;
	(pc) =	sbr.abs _section_cstart, $3  }
0xc3: {  	[dreg:$0x1] =	wrdreg $0xFFFFFFFF  }
0xc4: {  	_ =	task.clear_ibuf [dreg:s9], $0x2FFFF;
	_ =	strace $0x9FFFFFFF  }
0xc5: {  	(tm) =	ssettm $0x7FFFFFFF  }
tec
execute0_lowered:
.L_overlay_start_1:
0x0: {  	(tag) =	ssettag $0x1  }
0x1: {  	s1 =	rddreg [dreg:$0x0]  }
0x2: {  	s0 =	rddreg [dreg:$0x1]  }
0x3: {  	s2 =	rddreg [dreg:$0x2];
	s3 =	simm.s32 $0x0  }
0x4: {  	s4 =	srdreg.scid;
	s6 =	stileid.u32;
	s13 =	simm.s32 $0x200  }
0x5: {  	s17 =	simm.s32 $0xB600;
	s18 =	simm.s32 $0xBE00;
	s19 =	simm.s32 $0xC600  }
0x6: {  	s20 =	simm.s32 $0xCE00;
	s21 =	simm.s32 $0xD600;
	s22 =	simm.s32 $0xDA00  }
0x7: {  	s23 =	simm.s32 $0xE200;
	s24 =	simm.s32 $0xEA00;
	s28 =	simm.s32 $0xFE00  }
0x8: {  	s29 =	simm.s32 $0x10600;
	s30 =	simm.s32 $0x10E00;
	s31 =	simm.s32 $0x11600  }
0x9: {  	s12 =	simm.s32 $0x3;
	s16 =	simm.s32 $0x0;
	[smem:$0x7FF] =	sst s3  }
0xa: {  	s4 =	sand.u32 $0x1, s4;
	s6 =	sshll.u32 s6, $0xA;
	s8 =	sadd.s32 $0x400, s1  }
0xb: {  	s5 =	ssub.s32 $0x2, s4;
	s4 =	sshll.u32 s4, $0x9;
	_ =	strace $0x80000047  }
0xc: {  	s7 =	sshrl.u32 s5, $0x1;
	s4 =	sor.u32 s4, s6;
	s6 =	sadd.s32 $0x200, s1  }
0xd: {  	s9 =	ssub.s32 s5, s7;
	s25 =	sshrl.u32 s4, $0x3;
	s4 =	sor.u32 $0x20, s4  }
0xe: {  	s5 =	sadd.s32 $0x100, s1;
	s7 =	sadd.s32 $0x300, s1;
	s26 =	smul.u32 $0x480, s25  }
.Ltmp0:
0xf: {  	s0 =	sadd.s32 s0, s25;
	s4 =	sshrl.u32 s4, $0x3;
	(pc) =	sbr.rel .LBB2_1-.Ltmp0, $4  }
0x10: {  	s9 =	smax.u32 s9, $0x1;
	s25 =	simm.s32 $0xF200;
	[dreg:$0x4] =	wrdreg s0  }
0x11: {  	v2 =	vlaneseq.u32;
	s4 =	smul.u32 $0x480, s4;
	[dreg:$0x5] =	wrdreg s9;
	s9 =	simm.s32 $0x9200  }
0x12: {  	vm0 =	vmmov $0xffff;
	vm1 =	vmmov $0xff;
	v1 =	vshrl.u32 v2, $0x3;
	s0 =	simm.s32 $0x11E00;
	s10 =	sadd.s32 s26, s2;
	s26 =	simm.s32 $0xFA00  }
0x13: {  	v0 =	vand.u32 $0x7, v2;
	v2 =	vor.u32 $0x8, v2;
	v1 =	vmul.u32 $0x8, v1;
	s11 =	sadd.s32 s4, s2;
	s4 =	simm.s32 $0x1;
	s2 =	simm.s32 $0x2  }
.LBB2_4:
0x14: {  	s15 =	simm.s32 $0x4  }
0x15: {  	_ =	swait.ge [sflag:s15], $0x9000  }
0x16: {  	s16 =	rddreg [dreg:$0x6]  }
0x17: {  	s14 =	rddreg [dreg:$0x5];
	s16 =	sadd.s32 $0x1, s16  }
0x18: {  	p0 =	sne.s32 s16, s14  }
.Ltmp1:
0x19: {  	_ = 	snop;
	(pc) =	sbr.rel @!p0 .LBB2_5-.Ltmp1, $3  }
0x1a: {  	_ =	sdelay $0x1  }
0x1b: {  	[sflag:s15] =	ssyncset.done $0x0  }
0x1c: {  	[sflag:s15] =	ssyncadd.s32 $0xFFFF7000  }
.LBB2_1:
0x1d: {  	[dreg:$0x6] =	wrdreg s16  }
0x1e: {  	s14 =	rddreg [dreg:$0x4];
	s15 =	simm.s32 $0x5  }
0x1f: {  	[tilespmem:s3], [sflag:$0x5] =	stream.linear.gather [hbm4b:s14+s3], $0x200, $0x38;
	[tilespmem:$0x12200] =	vst v63  }
0x20: {  	_ =	swait.ge [sflag:s15], $0x200  }
0x21: {  	[sflag:s15] =	ssyncset.done $0x0  }
0x22: {  	[sflag:s15] =	ssyncadd.s32 $0xFFFFFE00  }
0x23: {  	v3 =	vld [tilespmem:$0x0];
	_ =	sdelay $0x4  }
0x24: {  	v4 =	vshrl.u32 v3, $0x3  }
0x25: {  	v4 =	vmul.u32 $0x48, v4  }
0x26: {  	v3 =	vand.u32 $0x7, v3  }
0x27: {  	v3 =	vor.u32 v3, v4  }
0x28: {  	v4 =	vperm.xlane v3, v0;
	_ =	sdelay $0x1  }
0x29: {  	v4 =	vadd.s32 v1, v4;
	_ =	sdelay $0x4  }
0x2a: {  	[tilespmem:s13], [sflag:$0x1] =	stream.indirect_vreg.gather [hbm4b:s1+s3], $0x80, v4, vm0, $0xb8;
	[tilespmem:$0x12200] =	vst v63  }
0x2b: {  	s16 =	simm.s32 $0xA00  }
0x2c: {  	[tilespmem:s16], [sflag:$0x1] =	stream.indirect_vreg.gather [hbm4b:s5+s3], $0x80, v4, vm0, $0xb8;
	[tilespmem:$0x12200] =	vst v63  }
0x2d: {  	s15 =	simm.s32 $0x1200;
	v3 =	vperm.xlane v3, v2  }
0x2e: {  	[tilespmem:s15], [sflag:$0x1] =	stream.indirect_vreg.gather [hbm4b:s6+s3], $0x80, v4, vm0, $0xb8;
	[tilespmem:$0x12200] =	vst v63  }
0x2f: {  	v3 =	vadd.s32 v1, v3;
	s16 =	simm.s32 $0x1A00  }
0x30: {  	[tilespmem:s16], [sflag:$0x1] =	stream.indirect_vreg.gather [hbm4b:s7+s3], $0x80, v4, vm0, $0xb8;
	[tilespmem:$0x12200] =	vst v63  }
0x31: {  	s15 =	simm.s32 $0x2200  }
0x32: {  	[tilespmem:s15], [sflag:$0x1] =	stream.indirect_vreg.gather [hbm4b:s8+s3], $0x80, v4, vm1, $0xb8;
	[tilespmem:$0x12200] =	vst v63  }
0x33: {  	s16 =	simm.s32 $0x2600  }
0x34: {  	[tilespmem:s16], [sflag:$0x1] =	stream.indirect_vreg.gather [hbm4b:s1+s3], $0x80, v3, vm0, $0xb8;
	[tilespmem:$0x12200] =	vst v63  }
0x35: {  	s15 =	simm.s32 $0x2E00  }
0x36: {  	[tilespmem:s15], [sflag:$0x1] =	stream.indirect_vreg.gather [hbm4b:s5+s3], $0x80, v3, vm0, $0xb8;
	[tilespmem:$0x12200] =	vst v63  }
0x37: {  	s16 =	simm.s32 $0x3600  }
0x38: {  	[tilespmem:s16], [sflag:$0x1] =	stream.indirect_vreg.gather [hbm4b:s6+s3], $0x80, v3, vm0, $0xb8;
	[tilespmem:$0x12200] =	vst v63  }
0x39: {  	s15 =	simm.s32 $0x3E00  }
0x3a: {  	[tilespmem:s15], [sflag:$0x1] =	stream.indirect_vreg.gather [hbm4b:s7+s3], $0x80, v3, vm0, $0xb8;
	[tilespmem:$0x12200] =	vst v63  }
0x3b: {  	s16 =	simm.s32 $0x4600  }
0x3c: {  	[tilespmem:s16], [sflag:$0x1] =	stream.indirect_vreg.gather [hbm4b:s8+s3], $0x80, v3, vm1, $0xb8;
	[tilespmem:$0x12200] =	vst v63  }
0x3d: {  	v3 =	vld [tilespmem:$0x10];
	_ =	sdelay $0x4  }
0x3e: {  	v63 =	vshrl.u32 v3, $0x3  }
0x3f: {  	v4 =	vmul.u32 $0x48, v63  }
0x40: {  	v3 =	vand.u32 $0x7, v3  }
0x41: {  	v3 =	vor.u32 v3, v4  }
0x42: {  	v4 =	vperm.xlane v3, v0;
	_ =	sdelay $0x1  }
0x43: {  	v4 =	vadd.s32 v1, v4;
	_ =	sdelay $0x3  }
0x44: {  	s15 =	simm.s32 $0x4A00  }
0x45: {  	[tilespmem:s15], [sflag:$0x1] =	stream.indirect_vreg.gather [hbm4b:s1+s3], $0x80, v4, vm0, $0xb8;
	[tilespmem:$0x12200] =	vst v63  }
0x46: {  	s16 =	simm.s32 $0x5200  }
0x47: {  	[tilespmem:s16], [sflag:$0x1] =	stream.indirect_vreg.gather [hbm4b:s5+s3], $0x80, v4, vm0, $0xb8;
	[tilespmem:$0x12200] =	vst v63  }
0x48: {  	v3 =	vperm.xlane v3, v2;
	s15 =	simm.s32 $0x5A00  }
0x49: {  	[tilespmem:s15], [sflag:$0x1] =	stream.indirect_vreg.gather [hbm4b:s6+s3], $0x80, v4, vm0, $0xb8;
	[tilespmem:$0x12200] =	vst v63  }
0x4a: {  	v3 =	vadd.s32 v1, v3;
	s16 =	simm.s32 $0x6200  }
0x4b: {  	[tilespmem:s16], [sflag:$0x1] =	stream.indirect_vreg.gather [hbm4b:s7+s3], $0x80, v4, vm0, $0xb8;
	[tilespmem:$0x12200] =	vst v63  }
0x4c: {  	s15 =	simm.s32 $0x6A00  }
0x4d: {  	[tilespmem:s15], [sflag:$0x1] =	stream.indirect_vreg.gather [hbm4b:s8+s3], $0x80, v4, vm1, $0xb8;
	[tilespmem:$0x12200] =	vst v63  }
0x4e: {  	s16 =	simm.s32 $0x6E00  }
0x4f: {  	[tilespmem:s16], [sflag:$0x1] =	stream.indirect_vreg.gather [hbm4b:s1+s3], $0x80, v3, vm0, $0xb8;
	[tilespmem:$0x12200] =	vst v63  }
0x50: {  	s15 =	simm.s32 $0x7600  }
0x51: {  	[tilespmem:s15], [sflag:$0x1] =	stream.indirect_vreg.gather [hbm4b:s5+s3], $0x80, v3, vm0, $0xb8;
	[tilespmem:$0x12200] =	vst v63  }
0x52: {  	s16 =	simm.s32 $0x7E00  }
0x53: {  	[tilespmem:s16], [sflag:$0x1] =	stream.indirect_vreg.gather [hbm4b:s6+s3], $0x80, v3, vm0, $0xb8;
	[tilespmem:$0x12200] =	vst v63  }
0x54: {  	s15 =	simm.s32 $0x8600  }
0x55: {  	[tilespmem:s15], [sflag:$0x1] =	stream.indirect_vreg.gather [hbm4b:s7+s3], $0x80, v3, vm0, $0xb8;
	[tilespmem:$0x12200] =	vst v63  }
0x56: {  	s14 =	simm.s32 $0x30;
	s16 =	simm.s32 $0x8E00;
	s15 =	simm.s32 $0x0  }
0x57: {  	[tilespmem:s16], [sflag:$0x1] =	stream.indirect_vreg.gather [hbm4b:s8+s3], $0x80, v3, vm1, $0xb8;
	[tilespmem:$0x12200] =	vst v63  }
.LBB2_2:
0x58: {  	_ =	swait.ge [sflag:s4], $0x9000  }
0x59: {  	[sflag:s4] =	ssyncset.done $0x0  }
0x5a: {  	s16 =	sadd.s32 s15, s10;
	p0 =	seq.s32 s15, $0x0;
	[sflag:s4] =	ssyncadd.s32 $0xFFFF7000  }
0x5b: {  	[hbm4b:s16+s3] =	stream.linear.scatter [tilespmem:s13], [sflag:$0x3], $0x9000, $0x38;
	[tilespmem:$0x12200] =	vst v63  }
0x5c: {  	s16 =	simm.s32 @!p0 $0x4  }
0x5d: {  	_ =	swait.ge @!p0 [sflag:s16], $0x9000  }
0x5e: {  	[sflag:s16] =	ssyncset.done @!p0 $0x0  }
0x5f: {  	[sflag:s16] =	ssyncadd.s32 @!p0 $0xFFFF7000  }
0x60: {  	v3 =	vld [tilespmem:s14+$0xFFFFFFF0];
	_ =	sdelay $0x4  }
0x61: {  	v4 =	vshrl.u32 v3, $0x3  }
0x62: {  	v4 =	vmul.u32 $0x48, v4  }
0x63: {  	v3 =	vand.u32 $0x7, v3  }
0x64: {  	v3 =	vor.u32 v3, v4  }
0x65: {  	v4 =	vperm.xlane v3, v0;
	_ =	sdelay $0x1  }
0x66: {  	v4 =	vadd.s32 v1, v4;
	_ =	sdelay $0x4  }
0x67: {  	[tilespmem:s9], [sflag:$0x2] =	stream.indirect_vreg.gather [hbm4b:s1+s3], $0x80, v4, vm0, $0xb8;
	[tilespmem:$0x12200] =	vst v63  }
0x68: {  	s16 =	simm.s32 $0x9A00  }
0x69: {  	[tilespmem:s16], [sflag:$0x2] =	stream.indirect_vreg.gather [hbm4b:s5+s3], $0x80, v4, vm0, $0xb8;
	[tilespmem:$0x12200] =	vst v63  }
0x6a: {  	v3 =	vperm.xlane v3, v2;
	s16 =	simm.s32 $0xA200  }
0x6b: {  	[tilespmem:s16], [sflag:$0x2] =	stream.indirect_vreg.gather [hbm4b:s6+s3], $0x80, v4, vm0, $0xb8;
	[tilespmem:$0x12200] =	vst v63  }
0x6c: {  	v3 =	vadd.s32 v1, v3;
	s16 =	simm.s32 $0xAA00  }
0x6d: {  	[tilespmem:s16], [sflag:$0x2] =	stream.indirect_vreg.gather [hbm4b:s7+s3], $0x80, v4, vm0, $0xb8;
	[tilespmem:$0x12200] =	vst v63  }
0x6e: {  	s16 =	simm.s32 $0xB200  }
0x6f: {  	[tilespmem:s16], [sflag:$0x2] =	stream.indirect_vreg.gather [hbm4b:s8+s3], $0x80, v4, vm1, $0xb8;
	[tilespmem:$0x12200] =	vst v63  }
0x70: {  	_ = 	snop  }
0x71: {  	[tilespmem:s17], [sflag:$0x2] =	stream.indirect_vreg.gather [hbm4b:s1+s3], $0x80, v3, vm0, $0xb8;
	[tilespmem:$0x12200] =	vst v63  }
0x72: {  	_ = 	snop  }
0x73: {  	[tilespmem:s18], [sflag:$0x2] =	stream.indirect_vreg.gather [hbm4b:s5+s3], $0x80, v3, vm0, $0xb8;
	[tilespmem:$0x12200] =	vst v63  }
0x74: {  	_ = 	snop  }
0x75: {  	[tilespmem:s19], [sflag:$0x2] =	stream.indirect_vreg.gather [hbm4b:s6+s3], $0x80, v3, vm0, $0xb8;
	[tilespmem:$0x12200] =	vst v63  }
0x76: {  	_ = 	snop  }
0x77: {  	[tilespmem:s20], [sflag:$0x2] =	stream.indirect_vreg.gather [hbm4b:s7+s3], $0x80, v3, vm0, $0xb8;
	[tilespmem:$0x12200] =	vst v63  }
0x78: {  	_ = 	snop  }
0x79: {  	[tilespmem:s21], [sflag:$0x2] =	stream.indirect_vreg.gather [hbm4b:s8+s3], $0x80, v3, vm1, $0xb8;
	[tilespmem:$0x12200] =	vst v63  }
0x7a: {  	v3 =	vld [tilespmem:s14+$0x0];
	_ =	sdelay $0x4  }
0x7b: {  	v63 =	vshrl.u32 v3, $0x3  }
0x7c: {  	v4 =	vmul.u32 $0x48, v63  }
0x7d: {  	v3 =	vand.u32 $0x7, v3  }
0x7e: {  	v3 =	vor.u32 v3, v4  }
0x7f: {  	v4 =	vperm.xlane v3, v0;
	_ =	sdelay $0x1  }
0x80: {  	v4 =	vadd.s32 v1, v4;
	_ =	sdelay $0x4  }
0x81: {  	[tilespmem:s22], [sflag:$0x2] =	stream.indirect_vreg.gather [hbm4b:s1+s3], $0x80, v4, vm0, $0xb8;
	[tilespmem:$0x12200] =	vst v63  }
0x82: {  	_ = 	snop  }
0x83: {  	[tilespmem:s23], [sflag:$0x2] =	stream.indirect_vreg.gather [hbm4b:s5+s3], $0x80, v4, vm0, $0xb8;
	[tilespmem:$0x12200] =	vst v63  }
0x84: {  	v3 =	vperm.xlane v3, v2  }
0x85: {  	[tilespmem:s24], [sflag:$0x2] =	stream.indirect_vreg.gather [hbm4b:s6+s3], $0x80, v4, vm0, $0xb8;
	[tilespmem:$0x12200] =	vst v63  }
0x86: {  	v3 =	vadd.s32 v1, v3  }
0x87: {  	[tilespmem:s25], [sflag:$0x2] =	stream.indirect_vreg.gather [hbm4b:s7+s3], $0x80, v4, vm0, $0xb8;
	[tilespmem:$0x12200] =	vst v63  }
0x88: {  	_ = 	snop  }
0x89: {  	[tilespmem:s26], [sflag:$0x2] =	stream.indirect_vreg.gather [hbm4b:s8+s3], $0x80, v4, vm1, $0xb8;
	[tilespmem:$0x12200] =	vst v63  }
0x8a: {  	_ = 	snop  }
0x8b: {  	[tilespmem:s28], [sflag:$0x2] =	stream.indirect_vreg.gather [hbm4b:s1+s3], $0x80, v3, vm0, $0xb8;
	[tilespmem:$0x12200] =	vst v63  }
0x8c: {  	_ = 	snop  }
0x8d: {  	[tilespmem:s29], [sflag:$0x2] =	stream.indirect_vreg.gather [hbm4b:s5+s3], $0x80, v3, vm0, $0xb8;
	[tilespmem:$0x12200] =	vst v63  }
0x8e: {  	_ = 	snop  }
0x8f: {  	[tilespmem:s30], [sflag:$0x2] =	stream.indirect_vreg.gather [hbm4b:s6+s3], $0x80, v3, vm0, $0xb8;
	[tilespmem:$0x12200] =	vst v63  }
0x90: {  	_ = 	snop  }
0x91: {  	[tilespmem:s31], [sflag:$0x2] =	stream.indirect_vreg.gather [hbm4b:s7+s3], $0x80, v3, vm0, $0xb8;
	[tilespmem:$0x12200] =	vst v63  }
0x92: {  	_ = 	snop  }
0x93: {  	[tilespmem:s0], [sflag:$0x2] =	stream.indirect_vreg.gather [hbm4b:s8+s3], $0x80, v3, vm1, $0xb8;
	[tilespmem:$0x12200] =	vst v63  }
0x94: {  	_ =	swait.ge [sflag:s2], $0x9000  }
0x95: {  	p0 =	seq.s32 s15, $0xFC00;
	[sflag:s2] =	ssyncset.done $0x0  }
.Ltmp2:
0x96: {  	s16 =	sadd.s32 s15, s11;
	[sflag:s2] =	ssyncadd.s32 $0xFFFF7000;
	(pc) =	sbr.rel @p0 .LBB2_4-.Ltmp2, $4  }
0x97: {  	[hbm4b:s16+s3] =	stream.linear.scatter [tilespmem:s9], [sflag:$0x4], $0x9000, $0x38;
	[tilespmem:$0x12200] =	vst v63  }
0x98: {  	_ =	swait.ge [sflag:s12], $0x9000  }
0x99: {  	[sflag:s12] =	ssyncset.done $0x0  }
0x9a: {  	[sflag:s12] =	ssyncadd.s32 $0xFFFF7000  }
0x9b: {  	v3 =	vld [tilespmem:s14+$0x10];
	_ =	sdelay $0x4  }
0x9c: {  	v4 =	vshrl.u32 v3, $0x3  }
0x9d: {  	v4 =	vmul.u32 $0x48, v4  }
0x9e: {  	v3 =	vand.u32 $0x7, v3  }
0x9f: {  	v3 =	vor.u32 v3, v4  }
0xa0: {  	v4 =	vperm.xlane v3, v0;
	_ =	sdelay $0x1  }
0xa1: {  	v4 =	vadd.s32 v1, v4;
	_ =	sdelay $0x4  }
0xa2: {  	[tilespmem:s13], [sflag:$0x1] =	stream.indirect_vreg.gather [hbm4b:s1+s3], $0x80, v4, vm0, $0xb8;
	[tilespmem:$0x12200] =	vst v63  }
0xa3: {  	s16 =	simm.s32 $0xA00  }
0xa4: {  	[tilespmem:s16], [sflag:$0x1] =	stream.indirect_vreg.gather [hbm4b:s5+s3], $0x80, v4, vm0, $0xb8;
	[tilespmem:$0x12200] =	vst v63  }
0xa5: {  	v3 =	vperm.xlane v3, v2;
	s16 =	simm.s32 $0x1200  }
0xa6: {  	[tilespmem:s16], [sflag:$0x1] =	stream.indirect_vreg.gather [hbm4b:s6+s3], $0x80, v4, vm0, $0xb8;
	[tilespmem:$0x12200] =	vst v63  }
0xa7: {  	v3 =	vadd.s32 v1, v3;
	s16 =	simm.s32 $0x1A00  }
0xa8: {  	[tilespmem:s16], [sflag:$0x1] =	stream.indirect_vreg.gather [hbm4b:s7+s3], $0x80, v4, vm0, $0xb8;
	[tilespmem:$0x12200] =	vst v63  }
0xa9: {  	s16 =	simm.s32 $0x2200  }
0xaa: {  	[tilespmem:s16], [sflag:$0x1] =	stream.indirect_vreg.gather [hbm4b:s8+s3], $0x80, v4, vm1, $0xb8;
	[tilespmem:$0x12200] =	vst v63  }
0xab: {  	s16 =	simm.s32 $0x2600  }
0xac: {  	[tilespmem:s16], [sflag:$0x1] =	stream.indirect_vreg.gather [hbm4b:s1+s3], $0x80, v3, vm0, $0xb8;
	[tilespmem:$0x12200] =	vst v63  }
0xad: {  	s16 =	simm.s32 $0x2E00  }
0xae: {  	[tilespmem:s16], [sflag:$0x1] =	stream.indirect_vreg.gather [hbm4b:s5+s3], $0x80, v3, vm0, $0xb8;
	[tilespmem:$0x12200] =	vst v63  }
0xaf: {  	s16 =	simm.s32 $0x3600  }
0xb0: {  	[tilespmem:s16], [sflag:$0x1] =	stream.indirect_vreg.gather [hbm4b:s6+s3], $0x80, v3, vm0, $0xb8;
	[tilespmem:$0x12200] =	vst v63  }
0xb1: {  	s16 =	simm.s32 $0x3E00  }
0xb2: {  	[tilespmem:s16], [sflag:$0x1] =	stream.indirect_vreg.gather [hbm4b:s7+s3], $0x80, v3, vm0, $0xb8;
	[tilespmem:$0x12200] =	vst v63  }
0xb3: {  	s16 =	simm.s32 $0x4600  }
0xb4: {  	[tilespmem:s16], [sflag:$0x1] =	stream.indirect_vreg.gather [hbm4b:s8+s3], $0x80, v3, vm1, $0xb8;
	[tilespmem:$0x12200] =	vst v63  }
0xb5: {  	v3 =	vld [tilespmem:s14+$0x20];
	_ =	sdelay $0x4  }
0xb6: {  	v63 =	vshrl.u32 v3, $0x3  }
0xb7: {  	v4 =	vmul.u32 $0x48, v63  }
0xb8: {  	v3 =	vand.u32 $0x7, v3  }
0xb9: {  	v3 =	vor.u32 v3, v4  }
0xba: {  	v4 =	vperm.xlane v3, v0;
	_ =	sdelay $0x1  }
0xbb: {  	v4 =	vadd.s32 v1, v4;
	_ =	sdelay $0x3  }
0xbc: {  	s16 =	simm.s32 $0x4A00  }
0xbd: {  	[tilespmem:s16], [sflag:$0x1] =	stream.indirect_vreg.gather [hbm4b:s1+s3], $0x80, v4, vm0, $0xb8;
	[tilespmem:$0x12200] =	vst v63  }
0xbe: {  	s16 =	simm.s32 $0x5200  }
0xbf: {  	[tilespmem:s16], [sflag:$0x1] =	stream.indirect_vreg.gather [hbm4b:s5+s3], $0x80, v4, vm0, $0xb8;
	[tilespmem:$0x12200] =	vst v63  }
0xc0: {  	v3 =	vperm.xlane v3, v2;
	s16 =	simm.s32 $0x5A00  }
0xc1: {  	[tilespmem:s16], [sflag:$0x1] =	stream.indirect_vreg.gather [hbm4b:s6+s3], $0x80, v4, vm0, $0xb8;
	[tilespmem:$0x12200] =	vst v63  }
0xc2: {  	v3 =	vadd.s32 v1, v3;
	s16 =	simm.s32 $0x6200  }
0xc3: {  	[tilespmem:s16], [sflag:$0x1] =	stream.indirect_vreg.gather [hbm4b:s7+s3], $0x80, v4, vm0, $0xb8;
	[tilespmem:$0x12200] =	vst v63  }
0xc4: {  	s16 =	simm.s32 $0x6A00  }
0xc5: {  	[tilespmem:s16], [sflag:$0x1] =	stream.indirect_vreg.gather [hbm4b:s8+s3], $0x80, v4, vm1, $0xb8;
	[tilespmem:$0x12200] =	vst v63  }
0xc6: {  	s16 =	simm.s32 $0x6E00  }
0xc7: {  	[tilespmem:s16], [sflag:$0x1] =	stream.indirect_vreg.gather [hbm4b:s1+s3], $0x80, v3, vm0, $0xb8;
	[tilespmem:$0x12200] =	vst v63  }
0xc8: {  	s16 =	simm.s32 $0x7600  }
0xc9: {  	[tilespmem:s16], [sflag:$0x1] =	stream.indirect_vreg.gather [hbm4b:s5+s3], $0x80, v3, vm0, $0xb8;
	[tilespmem:$0x12200] =	vst v63  }
0xca: {  	s16 =	simm.s32 $0x7E00  }
0xcb: {  	[tilespmem:s16], [sflag:$0x1] =	stream.indirect_vreg.gather [hbm4b:s6+s3], $0x80, v3, vm0, $0xb8;
	[tilespmem:$0x12200] =	vst v63  }
.Ltmp3:
0xcc: {  	_ = 	snop;
	(pc) =	sbr.rel .LBB2_2-.Ltmp3, $4  }
0xcd: {  	s16 =	simm.s32 $0x8600  }
0xce: {  	[tilespmem:s16], [sflag:$0x1] =	stream.indirect_vreg.gather [hbm4b:s7+s3], $0x80, v3, vm0, $0xb8;
	[tilespmem:$0x12200] =	vst v63  }
0xcf: {  	s15 =	sadd.s32 $0x2400, s15;
	s14 =	sadd.s32 $0x40, s14;
	s16 =	simm.s32 $0x8E00  }
0xd0: {  	[tilespmem:s16], [sflag:$0x1] =	stream.indirect_vreg.gather [hbm4b:s8+s3], $0x80, v3, vm1, $0xb8;
	[tilespmem:$0x12200] =	vst v63  }
.LBB2_5:
0xd1: {  	_ =	sfence.sel $0x180000  }
0xd2: {  	[bflag:$0x0] =	sbarrier.arrive $0xFFFF  }
0xd3: {  	_ =	strace $0x90000047  }
0xd4: {  	s0 =	stileid.u32;
	[bflag:$0x2] =	sbarrier.arrive $0xFFFF  }
0xd5: {  	p0 =	sne.s32 s0, $0x0;
	s0 =	rddreg [dreg:$0x3]  }
0xd6: {  	s0 =	sadd.s32 @!p0 $0x100000, s0  }
0xd7: {  	[sflag:s0] =	ssyncadd.tile.s32 @!p0 $0x1;
	_ =	shalt  }
.Lfunc_end2:
_tile_overlayer_lowered:
.L_overlay_start_2:
0xd8: {  	(tag) =	ssettag $0x2  }
0xd9: {  	s0 =	rddreg [dreg:$0x0];
	s2 =	stileid.u32  }
0xda: {  	s1 =	rddreg [dreg:$0x1];
	p0 =	sne.s32 s2, $0x0  }
0xdb: {  	s3 =	rddreg [dreg:$0x2];
	[bflag:$0x3] =	sbarrier.arrive $0xFFFF;
	s2 =	simm.s32 @!p0 $0x1C05  }
0xdc: {  	[timem:s3], [sflag:s2] =	dma.local @!p0 [hbm:s0], s1  }
0xdd: {  	s0 =	simm.s32 @!p0 $0x5  }
0xde: {  	_ =	swait.ge @!p0 [sflag:s0], s1  }
0xdf: {  	s1 =	ssub.s32 @!p0 $0x0, s1;
	[sflag:s0] =	ssyncset.done @!p0 $0x0  }
0xe0: {  	[sflag:s0] =	ssyncadd.s32 @!p0 s1  }
0xe1: {  	[bflag:$0x3] =	sbarrier.arrive $0xFFFF  }
0xe2: {  	_ =	shalt  }

</sc_bundles>
